<compile_context>
chip_gen: v7x
topology: tpu7x:2x2x1
jax: 0.10.2.dev20260603
libtpu: 0.0.44.dev20260713+nightly
codegen_flags: <defaults>
</compile_context>

<pallas_src>
import functools

import jax
import jax.numpy as jnp
from jax import lax
from jax.experimental import pallas as pl
from jax.experimental.pallas import tpu as pltpu
from jax.experimental.pallas import tpu_sc as plsc

EPS = 1e-08
PI = 0.95
RSV_DIM = 1
K = 8192
D = 64
C_IN = 96
BETA = 0.25

B = 8
HW = 1024
N = B * HW
TB = 1024
NTB = N // TB


def _pv_const():
    Pi = PI * jnp.ones((D - RSV_DIM,), dtype=jnp.float32)
    return (jnp.concatenate([jnp.ones((1,), jnp.float32), jnp.cumprod(Pi)])
            * jnp.concatenate([1.0 - Pi, jnp.ones((1,), jnp.float32)]))


def _front_body(emb_ref, we_ref, be_ref, wp_ref, bp_ref, g_ref, pv_ref,
                lat_ref, kld_ref):
    x = emb_ref[0]
    feat = lax.dot_general(x, we_ref[...], (((0,), (1,)), ((), ())),
                           preferred_element_type=jnp.float32)
    feat = feat + be_ref[...]
    pvnd = lax.dot_general(x, wp_ref[...], (((0,), (1,)), ((), ())),
                           preferred_element_type=jnp.float32)
    pvnd = pvnd + bp_ref[...]

    beta = jax.nn.sigmoid(jnp.clip(pvnd[:, RSV_DIM:], -5.0, 5.0))
    ones1 = jnp.ones((HW, 1), jnp.float32)
    cp = jnp.concatenate([ones1, beta], axis=1)
    for sh in (1, 2, 4, 8, 16, 32):
        shifted = jnp.concatenate(
            [jnp.ones((HW, sh), jnp.float32), cp[:, :D - sh]], axis=1)
        cp = cp * shifted
    qv = cp * jnp.concatenate([1.0 - beta, ones1], axis=1)

    z = qv + g_ref[0]
    m = jnp.max(z, axis=1, keepdims=True)
    is_max = (z == m).astype(jnp.float32)
    lane = lax.broadcasted_iota(jnp.int32, (D, D), 0)
    lane2 = lax.broadcasted_iota(jnp.int32, (D, D), 1)
    strict_tri = (lane < lane2).astype(jnp.float32)
    excl = lax.dot_general(is_max, strict_tri, (((1,), (0,)), ((), ())),
                           preferred_element_type=jnp.float32)
    mask = (excl == 0.0).astype(jnp.float32)

    lat_ref[0] = feat * mask

    logf = jnp.log(qv / pv_ref[...] + EPS)
    kld_ref[0] = jnp.sum(qv * logf, axis=1)[None, :]


def _dist_body(flat_ref, cn_ref, cb_ref, io_ref, idx_ref):
    f = flat_ref[0]
    fn = jnp.sum(f * f, axis=1, keepdims=True)
    mm = lax.dot_general(f, cb_ref[...], (((1,), (1,)), ((), ())),
                         preferred_element_type=jnp.float32)
    dist = (fn + cn_ref[...]) - 2.0 * mm
    dmin = jnp.min(dist, axis=1, keepdims=True)
    idxf = jnp.min(jnp.where(dist == dmin, io_ref[...], jnp.float32(K)),
                   axis=1)
    idx_ref[0] = idxf.astype(jnp.int32)[None, :]


def _combine_body(lat_ref, q_ref, out_ref, mse_ref):
    l = lat_ref[0]
    q = q_ref[0][:, :D]
    d = q - l
    out_ref[0] = (l + d).T
    mse_ref[0] = jnp.sum(d * d, axis=1)[None, :]


_SC_INFO = plsc.get_sparse_core_info()
_NC = _SC_INFO.num_cores
_NS = _SC_INFO.num_subcores
_NW = _NC * _NS
_RPW = N // _NW
_CHUNK = 128
_NCH = _RPW // _CHUNK


def _gather_body(cb_hbm, idx_hbm, out_hbm, idx_v, rows_v, sem):
    wid = lax.axis_index("s") * _NC + lax.axis_index("c")
    pltpu.sync_copy(idx_hbm.at[pl.ds(wid * _NCH, _NCH)], idx_v)
    copies = []
    for j in range(_NCH):
        copies.append(pltpu.async_copy(
            cb_hbm.at[idx_v.at[j]], rows_v.at[pl.ds(j * _CHUNK, _CHUNK)], sem))
    for c in copies:
        c.wait()
    pltpu.sync_copy(rows_v, out_hbm.at[pl.ds(wid * _RPW, _RPW)])


_PD = D

_sc_gather = functools.partial(
    pl.kernel,
    out_type=jax.ShapeDtypeStruct((N, _PD), jnp.float32),
    mesh=plsc.VectorSubcoreMesh(core_axis_name="c", subcore_axis_name="s"),
    compiler_params=pltpu.CompilerParams(use_tc_tiling_on_sc=False),
    scratch_types=[
        pltpu.VMEM((_NCH, _CHUNK), jnp.int32),
        pltpu.VMEM((_RPW, _PD), jnp.float32),
        pltpu.SemaphoreType.DMA,
    ],
)(_gather_body)


@jax.jit
def kernel(emb, W_enc, b_enc, W_pvnd, b_pvnd, codebook):
    emb_r = emb.reshape(B, C_IN, HW)
    u = jax.random.uniform(jax.random.key(42), (B, 32, 32, D),
                           dtype=jnp.float32, minval=1e-10, maxval=1.0)
    g = (-jnp.log(-jnp.log(u))).reshape(B, HW, D)
    pv = _pv_const().reshape(1, D)

    lat, kld_rows = pl.pallas_call(
        _front_body,
        grid=(B,),
        in_specs=[
            pl.BlockSpec((1, C_IN, HW), lambda b: (b, 0, 0)),
            pl.BlockSpec((D, C_IN), lambda b: (0, 0)),
            pl.BlockSpec((1, D), lambda b: (0, 0)),
            pl.BlockSpec((D, C_IN), lambda b: (0, 0)),
            pl.BlockSpec((1, D), lambda b: (0, 0)),
            pl.BlockSpec((1, HW, D), lambda b: (b, 0, 0)),
            pl.BlockSpec((1, D), lambda b: (0, 0)),
        ],
        out_specs=[
            pl.BlockSpec((1, HW, D), lambda b: (b, 0, 0)),
            pl.BlockSpec((1, 1, HW), lambda b: (b, 0, 0)),
        ],
        out_shape=[
            jax.ShapeDtypeStruct((B, HW, D), jnp.float32),
            jax.ShapeDtypeStruct((B, 1, HW), jnp.float32),
        ],
    )(emb_r, W_enc, b_enc.reshape(1, D), W_pvnd, b_pvnd.reshape(1, D), g, pv)

    flat = lat.reshape(NTB, TB, D)
    cnorm = jnp.sum(codebook ** 2, axis=1).reshape(1, K)
    iota_f = jnp.arange(K, dtype=jnp.float32).reshape(1, K)

    idx = pl.pallas_call(
        _dist_body,
        grid=(NTB,),
        in_specs=[
            pl.BlockSpec((1, TB, D), lambda i: (i, 0, 0)),
            pl.BlockSpec((1, K), lambda i: (0, 0)),
            pl.BlockSpec((K, D), lambda i: (0, 0)),
            pl.BlockSpec((1, K), lambda i: (0, 0)),
        ],
        out_specs=pl.BlockSpec((1, 1, TB), lambda i: (i, 0, 0)),
        out_shape=jax.ShapeDtypeStruct((NTB, 1, TB), jnp.int32),
        compiler_params=pltpu.CompilerParams(vmem_limit_bytes=100 * 1024 * 1024),
    )(flat, cnorm, codebook, iota_f)

    q = _sc_gather(codebook, idx.reshape(N // _CHUNK, _CHUNK))

    outT, mse_rows = pl.pallas_call(
        _combine_body,
        grid=(NTB,),
        in_specs=[
            pl.BlockSpec((1, TB, D), lambda i: (i, 0, 0)),
            pl.BlockSpec((1, TB, _PD), lambda i: (i, 0, 0)),
        ],
        out_specs=[
            pl.BlockSpec((1, D, TB), lambda i: (i // (HW // TB), 0, i % (HW // TB))),
            pl.BlockSpec((1, 1, TB), lambda i: (i, 0, 0)),
        ],
        out_shape=[
            jax.ShapeDtypeStruct((B, D, HW), jnp.float32),
            jax.ShapeDtypeStruct((NTB, 1, TB), jnp.float32),
        ],
    )(flat, q.reshape(NTB, TB, _PD))

    mse = jnp.sum(mse_rows) / (N * D)
    kld = jnp.sum(kld_rows) / N
    vq_loss = (mse + kld) * BETA + mse
    return (outT.reshape(B, D, 32, 32), vq_loss)

# --- scband reference (transcript-rebuilt; emitter-appended) ---
"""Pipeline reference for scband-vector-quantizer-75230647157531 (READ-ONLY COPY).

The authoritative reference and input builder live on the scoring server;
editing this copy changes nothing except your own understanding.
"""

import jax, jax.numpy as jnp
import numpy as np

EPS = 1e-08
PI = 0.95
RSV_DIM = 1
TAU = 1.0
K = 8192
D = 64
C_IN = 96
BETA = 0.25


def setup_inputs(seed: int = 0) -> dict:
    key = jax.random.key(seed)
    ks = jax.random.split(key, 6)
    emb = jax.random.normal(ks[0], (8, C_IN, 32, 32), dtype=jnp.float32)
    W_enc = jax.random.normal(ks[1], (D, C_IN), dtype=jnp.float32) * (1.0 / np.sqrt(C_IN))
    b_enc = jnp.zeros((D,), dtype=jnp.float32)
    W_pvnd = jax.random.normal(ks[2], (D, C_IN), dtype=jnp.float32) * (1.0 / np.sqrt(C_IN))
    b_pvnd = jnp.zeros((D,), dtype=jnp.float32)
    codebook = jax.random.uniform(ks[3], (K, D), dtype=jnp.float32, minval=-1.0 / K, maxval=1.0 / K)
    return {"emb": emb, "W_enc": W_enc, "b_enc": b_enc, "W_pvnd": W_pvnd, "b_pvnd": b_pvnd, "codebook": codebook}


def _pv():
    Pi = PI * jnp.ones((D - RSV_DIM,), dtype=jnp.float32)
    return jnp.concatenate([jnp.ones((1,), jnp.float32), jnp.cumprod(Pi)]) * jnp.concatenate([1.0 - Pi, jnp.ones((1,), jnp.float32)])


def reference(emb, W_enc, b_enc, W_pvnd, b_pvnd, codebook):
    # 1x1 conv (conv_enc / conv_p_vnd) fused with NCHW->NHWC permute
    feat = jnp.einsum('bchw,dc->bhwd', emb, W_enc) + b_enc
    p_vnd = jnp.einsum('bchw,dc->bhwd', emb, W_pvnd) + b_pvnd

    # reparameterize
    pv = _pv()
    beta = jax.nn.sigmoid(jnp.clip(p_vnd[..., RSV_DIM:], -5.0, 5.0))
    ONES = jnp.ones_like(beta[..., 0:1])
    qv = jnp.concatenate([ONES, jnp.cumprod(beta, axis=-1)], axis=-1) * jnp.concatenate([1.0 - beta, ONES], axis=-1)

    # gumbel softmax, hard=True, tau=1.0 (qv used as logits, matching torch)
    u = jax.random.uniform(jax.random.key(42), qv.shape, dtype=jnp.float32, minval=1e-10, maxval=1.0)
    g = -jnp.log(-jnp.log(u))
    y_soft = jax.nn.softmax((qv + g) / TAU, axis=-1)
    idx = jnp.argmax(y_soft, axis=-1)
    y_hard = jax.nn.one_hot(idx, qv.shape[-1], dtype=y_soft.dtype)
    s_vnd = y_hard - jax.lax.stop_gradient(y_soft) + y_soft

    cumsum = jnp.cumsum(s_vnd, axis=-1)
    dif = cumsum - s_vnd
    mask0 = dif[..., 1:]
    mask1 = 1.0 - mask0
    s_vnd = jnp.concatenate([jnp.ones_like(p_vnd[..., :RSV_DIM]), mask1], axis=-1)

    # kld_vnd: diag(qv @ log_frac.T) generalized to per-position rows
    qv_flat = qv.reshape(-1, qv.shape[-1])
    log_frac = jnp.log(qv_flat / pv + EPS)
    kld_vnd = jnp.mean(jnp.sum(qv_flat * log_frac, axis=-1))

    latents = feat * s_vnd
    latents_shape = latents.shape
    flat = latents.reshape(-1, D)

    dist = jnp.sum(flat ** 2, axis=1, keepdims=True) + jnp.sum(codebook ** 2, axis=1) - 2.0 * jnp.matmul(flat, codebook.T)
    encoding_inds = jnp.argmin(dist, axis=1)
    encoding_one_hot = jax.nn.one_hot(encoding_inds, K, dtype=flat.dtype)
    quantized = jnp.matmul(encoding_one_hot, codebook).reshape(latents_shape)

    commitment_loss = jnp.mean((jax.lax.stop_gradient(quantized) - latents) ** 2)
    embedding_loss = jnp.mean((quantized - jax.lax.stop_gradient(latents)) ** 2)
    vq_loss = (commitment_loss + kld_vnd) * BETA + embedding_loss

    quantized = latents + jax.lax.stop_gradient(quantized - latents)
    return (jnp.transpose(quantized, (0, 3, 1, 2)), vq_loss)

if __name__ == "__main__":
    import jax
    _d = setup_inputs()
    print(jax.jit(kernel)(*tuple(_d.values())))

</pallas_src>

<mosaic_0001>
#map = affine_map<(d0, d1) -> (0, 0)>
module attributes {stable_mosaic.version = 14 : i64} {
  func.func @_gather_body(%arg0: i32, %arg1: i32, %arg2: memref<8192x64xf32, #tpu.memory_space<hbm>>, %arg3: memref<64x128xi32, #tpu.memory_space<hbm>>, %arg4: memref<8192x64xf32, #tpu.memory_space<hbm>>, %arg5: memref<2x128xi32, #tpu.memory_space<vmem>>, %arg6: memref<256x64xf32, #tpu.memory_space<vmem>>, %arg7: memref<!tpu.dma_semaphore, #tpu.memory_space<semaphore_mem>>) attributes {dimension_semantics = [#tpu.dimension_semantics<core_parallel>, #tpu.dimension_semantics<subcore_parallel>], iteration_bounds = array<i64: 2, 16>, scalar_prefetch = 0 : i64, scratch_operands = 3 : i64, tpu.core_type = #tpu.core_type<sc_vector_subcore>, window_params = [{transform_indices = #map}, {transform_indices = #map}, {transform_indices = #map}]} {
    %mul3A = arith.constant 2 : i32
    %mul3A_0 = arith.muli %arg1, %mul3A : i32
    %add3A = arith.addi %mul3A_0, %arg0 : i32
    %mul3A_1 = arith.constant 2 : i32
    %mul3A_2 = arith.muli %add3A, %mul3A_1 : i32
    "tpu.region"() ({
      %run_scoped3A = tpu.sem_alloc : memref<!tpu.dma_semaphore, #tpu.memory_space<semaphore_mem>>
      %dma_start3A_43 = arith.constant 0 : i32
      %dma_start3A_44 = tpu.memref_slice %arg3[%mul3A_2, %dma_start3A_43] : memref<64x128xi32, #tpu.memory_space<hbm>> -> memref<2x128xi32, #tpu.memory_space<hbm>>
      %dma_start3A_45 = arith.constant 0 : i32
      %dma_start3A_46 = tpu.memref_slice %arg3[%mul3A_2, %dma_start3A_45] : memref<64x128xi32, #tpu.memory_space<hbm>> -> memref<2x128xi32, #tpu.memory_space<hbm>>
      tpu.enqueue_dma source(%dma_start3A_46 : memref<2x128xi32, #tpu.memory_space<hbm>>) target(%arg5 : memref<2x128xi32, #tpu.memory_space<vmem>>) target_semaphore(%run_scoped3A : memref<!tpu.dma_semaphore, #tpu.memory_space<semaphore_mem>>)
      %dma_wait3A_47 = arith.constant 0 : i32
      %dma_wait3A_48 = tpu.memref_slice %arg3[%mul3A_2, %dma_wait3A_47] : memref<64x128xi32, #tpu.memory_space<hbm>> -> memref<2x128xi32, #tpu.memory_space<hbm>>
      %dma_wait3A_49 = arith.constant 0 : i32
      %dma_wait3A_50 = tpu.memref_slice %arg3[%mul3A_2, %dma_wait3A_49] : memref<64x128xi32, #tpu.memory_space<hbm>> -> memref<2x128xi32, #tpu.memory_space<hbm>>
      tpu.wait_dma2 semaphore(%run_scoped3A : memref<!tpu.dma_semaphore, #tpu.memory_space<semaphore_mem>>) src(%dma_wait3A_50 : memref<2x128xi32, #tpu.memory_space<hbm>>) dst(%arg5 : memref<2x128xi32, #tpu.memory_space<vmem>>)
      tpu.yield
    }) : () -> ()
    %dma_start3A = arith.constant 0 : i32
    %dma_start3A_3 = arith.constant 0 : i32
    %dma_start3A_4 = arith.constant 0 : i32
    %dma_start3A_5 = tpu.memref_slice %arg6[%dma_start3A_3, %dma_start3A_4] : memref<256x64xf32, #tpu.memory_space<vmem>> -> memref<128x64xf32, #tpu.memory_space<vmem>>
    %dma_start3A_6 = arith.constant 0 : i32
    %dma_start3A_7 = tpu.memref_slice %arg5[%dma_start3A, %dma_start3A_6] : memref<2x128xi32, #tpu.memory_space<vmem>> -> memref<1x128xi32, #tpu.memory_space<vmem>>
    %dma_start3A_8 = tpu.memref_squeeze %dma_start3A_7 : memref<1x128xi32, #tpu.memory_space<vmem>> -> memref<128xi32, #tpu.memory_space<vmem>>
    %dma_start3A_9 = arith.constant 0 : i32
    %dma_start3A_10 = arith.constant 0 : i32
    %dma_start3A_11 = tpu.memref_slice %arg2[%dma_start3A_9, %dma_start3A_10] : memref<8192x64xf32, #tpu.memory_space<hbm>> -> memref<8192x64xf32, #tpu.memory_space<hbm>>
    tpu.enqueue_indirect_dma source(%dma_start3A_11 : memref<8192x64xf32, #tpu.memory_space<hbm>>) target(%dma_start3A_5 : memref<128x64xf32, #tpu.memory_space<vmem>>) offsets(%dma_start3A_8 : memref<128xi32, #tpu.memory_space<vmem>>) semaphore(%arg7 : memref<!tpu.dma_semaphore, #tpu.memory_space<semaphore_mem>>)
    %dma_start3A_12 = arith.constant 1 : i32
    %dma_start3A_13 = arith.constant 128 : i32
    %dma_start3A_14 = arith.constant 0 : i32
    %dma_start3A_15 = tpu.memref_slice %arg6[%dma_start3A_13, %dma_start3A_14] : memref<256x64xf32, #tpu.memory_space<vmem>> -> memref<128x64xf32, #tpu.memory_space<vmem>>
    %dma_start3A_16 = arith.constant 0 : i32
    %dma_start3A_17 = tpu.memref_slice %arg5[%dma_start3A_12, %dma_start3A_16] : memref<2x128xi32, #tpu.memory_space<vmem>> -> memref<1x128xi32, #tpu.memory_space<vmem>>
    %dma_start3A_18 = tpu.memref_squeeze %dma_start3A_17 : memref<1x128xi32, #tpu.memory_space<vmem>> -> memref<128xi32, #tpu.memory_space<vmem>>
    %dma_start3A_19 = arith.constant 0 : i32
    %dma_start3A_20 = arith.constant 0 : i32
    %dma_start3A_21 = tpu.memref_slice %arg2[%dma_start3A_19, %dma_start3A_20] : memref<8192x64xf32, #tpu.memory_space<hbm>> -> memref<8192x64xf32, #tpu.memory_space<hbm>>
    tpu.enqueue_indirect_dma source(%dma_start3A_21 : memref<8192x64xf32, #tpu.memory_space<hbm>>) target(%dma_start3A_15 : memref<128x64xf32, #tpu.memory_space<vmem>>) offsets(%dma_start3A_18 : memref<128xi32, #tpu.memory_space<vmem>>) semaphore(%arg7 : memref<!tpu.dma_semaphore, #tpu.memory_space<semaphore_mem>>)
    %dma_wait3A = arith.constant 0 : i32
    %dma_wait3A_22 = arith.constant 0 : i32
    %dma_wait3A_23 = arith.constant 0 : i32
    %dma_wait3A_24 = tpu.memref_slice %arg6[%dma_wait3A_22, %dma_wait3A_23] : memref<256x64xf32, #tpu.memory_space<vmem>> -> memref<128x64xf32, #tpu.memory_space<vmem>>
    %dma_wait3A_25 = arith.constant 0 : i32
    %dma_wait3A_26 = tpu.memref_slice %arg5[%dma_wait3A, %dma_wait3A_25] : memref<2x128xi32, #tpu.memory_space<vmem>> -> memref<1x128xi32, #tpu.memory_space<vmem>>
    %dma_wait3A_27 = tpu.memref_squeeze %dma_wait3A_26 : memref<1x128xi32, #tpu.memory_space<vmem>> -> memref<128xi32, #tpu.memory_space<vmem>>
    %dma_wait3A_28 = arith.constant 0 : i32
    %dma_wait3A_29 = arith.constant 0 : i32
    %dma_wait3A_30 = tpu.memref_slice %arg2[%dma_wait3A_28, %dma_wait3A_29] : memref<8192x64xf32, #tpu.memory_space<hbm>> -> memref<8192x64xf32, #tpu.memory_space<hbm>>
    tpu.wait_indirect_dma semaphore(%arg7 : memref<!tpu.dma_semaphore, #tpu.memory_space<semaphore_mem>>) src(%dma_wait3A_30 : memref<8192x64xf32, #tpu.memory_space<hbm>>) dst(%dma_wait3A_24 : memref<128x64xf32, #tpu.memory_space<vmem>>)
    %dma_wait3A_31 = arith.constant 1 : i32
    %dma_wait3A_32 = arith.constant 128 : i32
    %dma_wait3A_33 = arith.constant 0 : i32
    %dma_wait3A_34 = tpu.memref_slice %arg6[%dma_wait3A_32, %dma_wait3A_33] : memref<256x64xf32, #tpu.memory_space<vmem>> -> memref<128x64xf32, #tpu.memory_space<vmem>>
    %dma_wait3A_35 = arith.constant 0 : i32
    %dma_wait3A_36 = tpu.memref_slice %arg5[%dma_wait3A_31, %dma_wait3A_35] : memref<2x128xi32, #tpu.memory_space<vmem>> -> memref<1x128xi32, #tpu.memory_space<vmem>>
    %dma_wait3A_37 = tpu.memref_squeeze %dma_wait3A_36 : memref<1x128xi32, #tpu.memory_space<vmem>> -> memref<128xi32, #tpu.memory_space<vmem>>
    %dma_wait3A_38 = arith.constant 0 : i32
    %dma_wait3A_39 = arith.constant 0 : i32
    %dma_wait3A_40 = tpu.memref_slice %arg2[%dma_wait3A_38, %dma_wait3A_39] : memref<8192x64xf32, #tpu.memory_space<hbm>> -> memref<8192x64xf32, #tpu.memory_space<hbm>>
    tpu.wait_indirect_dma semaphore(%arg7 : memref<!tpu.dma_semaphore, #tpu.memory_space<semaphore_mem>>) src(%dma_wait3A_40 : memref<8192x64xf32, #tpu.memory_space<hbm>>) dst(%dma_wait3A_34 : memref<128x64xf32, #tpu.memory_space<vmem>>)
    %mul3A_41 = arith.constant 256 : i32
    %mul3A_42 = arith.muli %add3A, %mul3A_41 : i32
    "tpu.region"() ({
      %run_scoped3A = tpu.sem_alloc : memref<!tpu.dma_semaphore, #tpu.memory_space<semaphore_mem>>
      %dma_start3A_43 = arith.constant 0 : i32
      %dma_start3A_44 = tpu.memref_slice %arg4[%mul3A_42, %dma_start3A_43] : memref<8192x64xf32, #tpu.memory_space<hbm>> -> memref<256x64xf32, #tpu.memory_space<hbm>>
      %dma_start3A_45 = arith.constant 0 : i32
      %dma_start3A_46 = tpu.memref_slice %arg4[%mul3A_42, %dma_start3A_45] : memref<8192x64xf32, #tpu.memory_space<hbm>> -> memref<256x64xf32, #tpu.memory_space<hbm>>
      tpu.enqueue_dma source(%arg6 : memref<256x64xf32, #tpu.memory_space<vmem>>) target(%dma_start3A_46 : memref<256x64xf32, #tpu.memory_space<hbm>>) target_semaphore(%run_scoped3A : memref<!tpu.dma_semaphore, #tpu.memory_space<semaphore_mem>>)
      %dma_wait3A_47 = arith.constant 0 : i32
      %dma_wait3A_48 = tpu.memref_slice %arg4[%mul3A_42, %dma_wait3A_47] : memref<8192x64xf32, #tpu.memory_space<hbm>> -> memref<256x64xf32, #tpu.memory_space<hbm>>
      %dma_wait3A_49 = arith.constant 0 : i32
      %dma_wait3A_50 = tpu.memref_slice %arg4[%mul3A_42, %dma_wait3A_49] : memref<8192x64xf32, #tpu.memory_space<hbm>> -> memref<256x64xf32, #tpu.memory_space<hbm>>
      tpu.wait_dma2 semaphore(%run_scoped3A : memref<!tpu.dma_semaphore, #tpu.memory_space<semaphore_mem>>) src(%arg6 : memref<256x64xf32, #tpu.memory_space<vmem>>) dst(%dma_wait3A_50 : memref<256x64xf32, #tpu.memory_space<hbm>>)
      tpu.yield
    }) : () -> ()
    return
  }
}

module attributes {stable_mosaic.version = 14 : i64} {
  func.func @_front_body(%arg0: i32, %arg1: memref<1x96x1024xf32, #tpu.memory_space<vmem>>, %arg2: memref<64x96xf32, #tpu.memory_space<vmem>>, %arg3: memref<1x64xf32, #tpu.memory_space<vmem>>, %arg4: memref<64x96xf32, #tpu.memory_space<vmem>>, %arg5: memref<1x64xf32, #tpu.memory_space<vmem>>, %arg6: memref<1x1024x64xf32, #tpu.memory_space<vmem>>, %arg7: memref<1x64xf32, #tpu.memory_space<vmem>>, %arg8: memref<1x1024x64xf32, #tpu.memory_space<vmem>>, %arg9: memref<1x1x1024xf32, #tpu.memory_space<vmem>>) attributes {dimension_semantics = [#tpu.dimension_semantics<arbitrary>], iteration_bounds = array<i64: 8>, scalar_prefetch = 0 : i64, scratch_operands = 0 : i64, tpu.core_type = #tpu.core_type<tc>, window_params = [{transform_indices = @transform_0, window_bounds = array<i64: 1, 96, 1024>}, {pipeline_mode = #tpu.pipeline_mode<synchronous>, transform_indices = @transform_1, window_bounds = array<i64: 64, 96>}, {pipeline_mode = #tpu.pipeline_mode<synchronous>, transform_indices = @transform_2, window_bounds = array<i64: 1, 64>}, {pipeline_mode = #tpu.pipeline_mode<synchronous>, transform_indices = @transform_3, window_bounds = array<i64: 64, 96>}, {pipeline_mode = #tpu.pipeline_mode<synchronous>, transform_indices = @transform_4, window_bounds = array<i64: 1, 64>}, {transform_indices = @transform_5, window_bounds = array<i64: 1, 1024, 64>}, {pipeline_mode = #tpu.pipeline_mode<synchronous>, transform_indices = @transform_6, window_bounds = array<i64: 1, 64>}, {transform_indices = @transform_7, window_bounds = array<i64: 1, 1024, 64>}, {transform_indices = @transform_8, window_bounds = array<i64: 1, 1, 1024>}]} {
    %get3A = arith.constant 0 : index
    %get3A_0 = arith.constant 0 : index
    %get3A_1 = arith.constant 0 : index
    %get3A_2 = vector.load %arg1[%get3A, %get3A_0, %get3A_1] : memref<1x96x1024xf32, #tpu.memory_space<vmem>>, vector<1x96x1024xf32>
    %get3A_3 = vector.shape_cast %get3A_2 : vector<1x96x1024xf32> to vector<96x1024xf32>
    %get3A_4 = arith.constant 0 : index
    %get3A_5 = arith.constant 0 : index
    %get3A_6 = vector.load %arg2[%get3A_4, %get3A_5] : memref<64x96xf32, #tpu.memory_space<vmem>>, vector<64x96xf32>
    %dot_general3A = arith.constant dense<0.000000e+00> : vector<1024x64xf32>
    %dot_general3A_7 = tpu.matmul %get3A_3, %get3A_6, %dot_general3A {dimension_numbers = #tpu.dot_dimension_numbers<[0], [1], [1], [0], [0, 1, 1, 0], [], []>, transpose_lhs_hint = false} : vector<96x1024xf32>, vector<64x96xf32>, vector<1024x64xf32> -> vector<1024x64xf32>
    %get3A_8 = arith.constant 0 : index
    %get3A_9 = arith.constant 0 : index
    %get3A_10 = vector.load %arg3[%get3A_8, %get3A_9] : memref<1x64xf32, #tpu.memory_space<vmem>>, vector<1x64xf32>
    %add3A = vector.broadcast %get3A_10 : vector<1x64xf32> to vector<1024x64xf32>
    %add3A_11 = arith.addf %dot_general3A_7, %add3A : vector<1024x64xf32>
    %get3A_12 = arith.constant 0 : index
    %get3A_13 = arith.constant 0 : index
    %get3A_14 = vector.load %arg4[%get3A_12, %get3A_13] : memref<64x96xf32, #tpu.memory_space<vmem>>, vector<64x96xf32>
    %dot_general3A_15 = arith.constant dense<0.000000e+00> : vector<1024x64xf32>
    %dot_general3A_16 = tpu.matmul %get3A_3, %get3A_14, %dot_general3A_15 {dimension_numbers = #tpu.dot_dimension_numbers<[0], [1], [1], [0], [0, 1, 1, 0], [], []>, transpose_lhs_hint = false} : vector<96x1024xf32>, vector<64x96xf32>, vector<1024x64xf32> -> vector<1024x64xf32>
    %get3A_17 = arith.constant 0 : index
    %get3A_18 = arith.constant 0 : index
    %get3A_19 = vector.load %arg5[%get3A_17, %get3A_18] : memref<1x64xf32, #tpu.memory_space<vmem>>, vector<1x64xf32>
    %add3A_20 = vector.broadcast %get3A_19 : vector<1x64xf32> to vector<1024x64xf32>
    %add3A_21 = arith.addf %dot_general3A_16, %add3A_20 : vector<1024x64xf32>
    %slice3A = vector.extract_strided_slice %add3A_21 {offsets = [0, 1], sizes = [1024, 63], strides = [1, 1]} : vector<1024x64xf32> to vector<1024x63xf32>
    %jit3A = arith.constant -5.000000e+00 : f32
    %jit3A_22 = arith.constant 5.000000e+00 : f32
    %max3A = vector.broadcast %jit3A : f32 to vector<1024x63xf32>
    %max3A_23 = arith.maximumf %max3A, %slice3A : vector<1024x63xf32>
    %min3A = vector.broadcast %jit3A_22 : f32 to vector<1024x63xf32>
    %min3A_24 = arith.minimumf %min3A, %max3A_23 : vector<1024x63xf32>
    %logistic3A = arith.negf %min3A_24 : vector<1024x63xf32>
    %logistic3A_25 = math.exp %logistic3A : vector<1024x63xf32>
    %logistic3A_26 = arith.constant 1.000000e+00 : f32
    %logistic3A_27 = vector.broadcast %logistic3A_26 : f32 to vector<1024x63xf32>
    %logistic3A_28 = arith.addf %logistic3A_27, %logistic3A_25 : vector<1024x63xf32>
    %logistic3A_29 = arith.divf %logistic3A_27, %logistic3A_28 : vector<1024x63xf32>
    %broadcast_in_dim3A = arith.constant 1.000000e+00 : f32
    %broadcast_in_dim3A_30 = vector.broadcast %broadcast_in_dim3A : f32 to vector<1024x1xf32>
    %concatenate3A = tpu.concatenate %broadcast_in_dim3A_30, %logistic3A_29 in 1 : vector<1024x1xf32>, vector<1024x63xf32> -> vector<1024x64xf32>
    %broadcast_in_dim3A_31 = arith.constant 1.000000e+00 : f32
    %broadcast_in_dim3A_32 = vector.broadcast %broadcast_in_dim3A_31 : f32 to vector<1024x1xf32>
    %slice3A_33 = vector.extract_strided_slice %concatenate3A {offsets = [0, 0], sizes = [1024, 63], strides = [1, 1]} : vector<1024x64xf32> to vector<1024x63xf32>
    %concatenate3A_34 = tpu.concatenate %broadcast_in_dim3A_32, %slice3A_33 in 1 : vector<1024x1xf32>, vector<1024x63xf32> -> vector<1024x64xf32>
    %mul3A = arith.mulf %concatenate3A, %concatenate3A_34 : vector<1024x64xf32>
    %broadcast_in_dim3A_35 = arith.constant 1.000000e+00 : f32
    %broadcast_in_dim3A_36 = vector.broadcast %broadcast_in_dim3A_35 : f32 to vector<1024x2xf32>
    %slice3A_37 = vector.extract_strided_slice %mul3A {offsets = [0, 0], sizes = [1024, 62], strides = [1, 1]} : vector<1024x64xf32> to vector<1024x62xf32>
    %concatenate3A_38 = tpu.concatenate %broadcast_in_dim3A_36, %slice3A_37 in 1 : vector<1024x2xf32>, vector<1024x62xf32> -> vector<1024x64xf32>
    %mul3A_39 = arith.mulf %mul3A, %concatenate3A_38 : vector<1024x64xf32>
    %broadcast_in_dim3A_40 = arith.constant 1.000000e+00 : f32
    %broadcast_in_dim3A_41 = vector.broadcast %broadcast_in_dim3A_40 : f32 to vector<1024x4xf32>
    %slice3A_42 = vector.extract_strided_slice %mul3A_39 {offsets = [0, 0], sizes = [1024, 60], strides = [1, 1]} : vector<1024x64xf32> to vector<1024x60xf32>
    %concatenate3A_43 = tpu.concatenate %broadcast_in_dim3A_41, %slice3A_42 in 1 : vector<1024x4xf32>, vector<1024x60xf32> -> vector<1024x64xf32>
    %mul3A_44 = arith.mulf %mul3A_39, %concatenate3A_43 : vector<1024x64xf32>
    %broadcast_in_dim3A_45 = arith.constant 1.000000e+00 : f32
    %broadcast_in_dim3A_46 = vector.broadcast %broadcast_in_dim3A_45 : f32 to vector<1024x8xf32>
    %slice3A_47 = vector.extract_strided_slice %mul3A_44 {offsets = [0, 0], sizes = [1024, 56], strides = [1, 1]} : vector<1024x64xf32> to vector<1024x56xf32>
    %concatenate3A_48 = tpu.concatenate %broadcast_in_dim3A_46, %slice3A_47 in 1 : vector<1024x8xf32>, vector<1024x56xf32> -> vector<1024x64xf32>
    %mul3A_49 = arith.mulf %mul3A_44, %concatenate3A_48 : vector<1024x64xf32>
    %broadcast_in_dim3A_50 = arith.constant 1.000000e+00 : f32
    %broadcast_in_dim3A_51 = vector.broadcast %broadcast_in_dim3A_50 : f32 to vector<1024x16xf32>
    %slice3A_52 = vector.extract_strided_slice %mul3A_49 {offsets = [0, 0], sizes = [1024, 48], strides = [1, 1]} : vector<1024x64xf32> to vector<1024x48xf32>
    %concatenate3A_53 = tpu.concatenate %broadcast_in_dim3A_51, %slice3A_52 in 1 : vector<1024x16xf32>, vector<1024x48xf32> -> vector<1024x64xf32>
    %mul3A_54 = arith.mulf %mul3A_49, %concatenate3A_53 : vector<1024x64xf32>
    %broadcast_in_dim3A_55 = arith.constant 1.000000e+00 : f32
    %broadcast_in_dim3A_56 = vector.broadcast %broadcast_in_dim3A_55 : f32 to vector<1024x32xf32>
    %slice3A_57 = vector.extract_strided_slice %mul3A_54 {offsets = [0, 0], sizes = [1024, 32], strides = [1, 1]} : vector<1024x64xf32> to vector<1024x32xf32>
    %concatenate3A_58 = tpu.concatenate %broadcast_in_dim3A_56, %slice3A_57 in 1 : vector<1024x32xf32>, vector<1024x32xf32> -> vector<1024x64xf32>
    %mul3A_59 = arith.mulf %mul3A_54, %concatenate3A_58 : vector<1024x64xf32>
    %sub3A = arith.constant 1.000000e+00 : f32
    %sub3A_60 = vector.broadcast %sub3A : f32 to vector<1024x63xf32>
    %sub3A_61 = arith.subf %sub3A_60, %logistic3A_29 : vector<1024x63xf32>
    %concatenate3A_62 = tpu.concatenate %sub3A_61, %broadcast_in_dim3A_30 in 1 : vector<1024x63xf32>, vector<1024x1xf32> -> vector<1024x64xf32>
    %mul3A_63 = arith.mulf %mul3A_59, %concatenate3A_62 : vector<1024x64xf32>
    %get3A_64 = arith.constant 0 : index
    %get3A_65 = arith.constant 0 : index
    %get3A_66 = arith.constant 0 : index
    %get3A_67 = vector.load %arg6[%get3A_64, %get3A_65, %get3A_66] : memref<1x1024x64xf32, #tpu.memory_space<vmem>>, vector<1x1024x64xf32>
    %get3A_68 = vector.shape_cast %get3A_67 : vector<1x1024x64xf32> to vector<1024x64xf32>
    %add3A_69 = arith.addf %mul3A_63, %get3A_68 : vector<1024x64xf32>
    %reduce_max3A = arith.constant dense<0xFF800000> : vector<1024xf32>
    %reduce_max3A_70 = vector.multi_reduction <maximumf>, %add3A_69, %reduce_max3A [1] : vector<1024x64xf32> to vector<1024xf32>
    %broadcast_in_dim3A_71 = vector.shape_cast %reduce_max3A_70 : vector<1024xf32> to vector<1024x1xf32>
    %eq3A = vector.broadcast %broadcast_in_dim3A_71 : vector<1024x1xf32> to vector<1024x64xf32>
    %eq3A_72 = arith.cmpf oeq, %add3A_69, %eq3A : vector<1024x64xf32>
    %convert_element_type3A = arith.extui %eq3A_72 : vector<1024x64xi1> to vector<1024x64xi32>
    %convert_element_type3A_73 = arith.sitofp %convert_element_type3A : vector<1024x64xi32> to vector<1024x64xf32>
    %iota3A = tpu.iota {dimensions = array<i32: 0>} : vector<64x64xi32>
    %iota3A_74 = tpu.iota {dimensions = array<i32: 1>} : vector<64x64xi32>
    %lt3A = arith.cmpi slt, %iota3A, %iota3A_74 : vector<64x64xi32>
    %convert_element_type3A_75 = arith.extui %lt3A : vector<64x64xi1> to vector<64x64xi32>
    %convert_element_type3A_76 = arith.sitofp %convert_element_type3A_75 : vector<64x64xi32> to vector<64x64xf32>
    %dot_general3A_77 = arith.constant dense<0.000000e+00> : vector<1024x64xf32>
    %dot_general3A_78 = tpu.matmul %convert_element_type3A_73, %convert_element_type3A_76, %dot_general3A_77 {dimension_numbers = #tpu.dot_dimension_numbers<[1], [0], [0], [1], [0, 0, 1, 1], [], []>, transpose_lhs_hint = false} : vector<1024x64xf32>, vector<64x64xf32>, vector<1024x64xf32> -> vector<1024x64xf32>
    %eq3A_79 = arith.constant 0.000000e+00 : f32
    %eq3A_80 = vector.broadcast %eq3A_79 : f32 to vector<1024x64xf32>
    %eq3A_81 = arith.cmpf oeq, %dot_general3A_78, %eq3A_80 : vector<1024x64xf32>
    %convert_element_type3A_82 = arith.extui %eq3A_81 : vector<1024x64xi1> to vector<1024x64xi32>
    %convert_element_type3A_83 = arith.sitofp %convert_element_type3A_82 : vector<1024x64xi32> to vector<1024x64xf32>
    %mul3A_84 = arith.mulf %add3A_11, %convert_element_type3A_83 : vector<1024x64xf32>
    %swap3A = arith.constant 0 : index
    %swap3A_85 = arith.constant 0 : index
    %swap3A_86 = arith.constant 0 : index
    %swap3A_87 = vector.load %arg8[%swap3A, %swap3A_85, %swap3A_86] : memref<1x1024x64xf32, #tpu.memory_space<vmem>>, vector<1x1024x64xf32>
    %swap3A_88 = vector.shape_cast %swap3A_87 : vector<1x1024x64xf32> to vector<1024x64xf32>
    %swap3A_89 = vector.shape_cast %mul3A_84 : vector<1024x64xf32> to vector<1x1024x64xf32>
    tpu.vector_store %arg8[%swap3A, %swap3A_85, %swap3A_86], %swap3A_89 {strides = array<i32>} : memref<1x1024x64xf32, #tpu.memory_space<vmem>>, vector<1x1024x64xf32>,
    %get3A_90 = arith.constant 0 : index
    %get3A_91 = arith.constant 0 : index
    %get3A_92 = vector.load %arg7[%get3A_90, %get3A_91] : memref<1x64xf32, #tpu.memory_space<vmem>>, vector<1x64xf32>
    %div3A = vector.broadcast %get3A_92 : vector<1x64xf32> to vector<1024x64xf32>
    %div3A_93 = arith.divf %mul3A_63, %div3A : vector<1024x64xf32>
    %add3A_94 = arith.constant 9.99999993E-9 : f32
    %add3A_95 = vector.broadcast %add3A_94 : f32 to vector<1024x64xf32>
    %add3A_96 = arith.addf %div3A_93, %add3A_95 : vector<1024x64xf32>
    %log3A = math.log %add3A_96 : vector<1024x64xf32>
    %mul3A_97 = arith.mulf %mul3A_63, %log3A : vector<1024x64xf32>
    %reduce_sum3A = arith.constant dense<0.000000e+00> : vector<1024xf32>
    %reduce_sum3A_98 = vector.multi_reduction <add>, %mul3A_97, %reduce_sum3A [1] : vector<1024x64xf32> to vector<1024xf32>
    %broadcast_in_dim3A_99 = vector.shape_cast %reduce_sum3A_98 : vector<1024xf32> to vector<1x1024xf32>
    %swap3A_100 = arith.constant 0 : index
    %swap3A_101 = arith.constant 0 : index
    %swap3A_102 = arith.constant 0 : index
    %swap3A_103 = vector.load %arg9[%swap3A_100, %swap3A_101, %swap3A_102] : memref<1x1x1024xf32, #tpu.memory_space<vmem>>, vector<1x1x1024xf32>
    %swap3A_104 = vector.shape_cast %swap3A_103 : vector<1x1x1024xf32> to vector<1x1024xf32>
    %swap3A_105 = vector.shape_cast %broadcast_in_dim3A_99 : vector<1x1024xf32> to vector<1x1x1024xf32>
    tpu.vector_store %arg9[%swap3A_100, %swap3A_101, %swap3A_102], %swap3A_105 {strides = array<i32>} : memref<1x1x1024xf32, #tpu.memory_space<vmem>>, vector<1x1x1024xf32>,
    return
  }
  func.func @transform_0(%arg0: i32) -> (i32, i32, i32) {
    %c0_i32 = arith.constant 0 : i32
    %c0_i32_0 = arith.constant 0 : i32
    %c0_i32_1 = arith.constant 0 : i32
    return %arg0, %c0_i32, %c0_i32_0 : i32, i32, i32
  }
  func.func @transform_1(%arg0: i32) -> (i32, i32) {
    %c0_i32 = arith.constant 0 : i32
    %c0_i32_0 = arith.constant 0 : i32
    %c0_i32_1 = arith.constant 0 : i32
    return %c0_i32, %c0_i32_0 : i32, i32
  }
  func.func @transform_2(%arg0: i32) -> (i32, i32) {
    %c0_i32 = arith.constant 0 : i32
    %c0_i32_0 = arith.constant 0 : i32
    %c0_i32_1 = arith.constant 0 : i32
    return %c0_i32, %c0_i32_0 : i32, i32
  }
  func.func @transform_3(%arg0: i32) -> (i32, i32) {
    %c0_i32 = arith.constant 0 : i32
    %c0_i32_0 = arith.constant 0 : i32
    %c0_i32_1 = arith.constant 0 : i32
    return %c0_i32, %c0_i32_0 : i32, i32
  }
  func.func @transform_4(%arg0: i32) -> (i32, i32) {
    %c0_i32 = arith.constant 0 : i32
    %c0_i32_0 = arith.constant 0 : i32
    %c0_i32_1 = arith.constant 0 : i32
    return %c0_i32, %c0_i32_0 : i32, i32
  }
  func.func @transform_5(%arg0: i32) -> (i32, i32, i32) {
    %c0_i32 = arith.constant 0 : i32
    %c0_i32_0 = arith.constant 0 : i32
    %c0_i32_1 = arith.constant 0 : i32
    return %arg0, %c0_i32, %c0_i32_0 : i32, i32, i32
  }
  func.func @transform_6(%arg0: i32) -> (i32, i32) {
    %c0_i32 = arith.constant 0 : i32
    %c0_i32_0 = arith.constant 0 : i32
    %c0_i32_1 = arith.constant 0 : i32
    return %c0_i32, %c0_i32_0 : i32, i32
  }
  func.func @transform_7(%arg0: i32) -> (i32, i32, i32) {
    %c0_i32 = arith.constant 0 : i32
    %c0_i32_0 = arith.constant 0 : i32
    %c0_i32_1 = arith.constant 0 : i32
    return %arg0, %c0_i32, %c0_i32_0 : i32, i32, i32
  }
  func.func @transform_8(%arg0: i32) -> (i32, i32, i32) {
    %c0_i32 = arith.constant 0 : i32
    %c0_i32_0 = arith.constant 0 : i32
    %c0_i32_1 = arith.constant 0 : i32
    return %arg0, %c0_i32, %c0_i32_0 : i32, i32, i32
  }
}

module attributes {stable_mosaic.version = 14 : i64} {
  func.func @_dist_body(%arg0: i32, %arg1: memref<1x1024x64xf32, #tpu.memory_space<vmem>>, %arg2: memref<1x8192xf32, #tpu.memory_space<vmem>>, %arg3: memref<8192x64xf32, #tpu.memory_space<vmem>>, %arg4: memref<1x8192xf32, #tpu.memory_space<vmem>>, %arg5: memref<1x1x1024xi32, #tpu.memory_space<vmem>>) attributes {dimension_semantics = [#tpu.dimension_semantics<arbitrary>], iteration_bounds = array<i64: 8>, scalar_prefetch = 0 : i64, scratch_operands = 0 : i64, tpu.core_type = #tpu.core_type<tc>, window_params = [{transform_indices = @transform_0, window_bounds = array<i64: 1, 1024, 64>}, {pipeline_mode = #tpu.pipeline_mode<synchronous>, transform_indices = @transform_1, window_bounds = array<i64: 1, 8192>}, {pipeline_mode = #tpu.pipeline_mode<synchronous>, transform_indices = @transform_2, window_bounds = array<i64: 8192, 64>}, {pipeline_mode = #tpu.pipeline_mode<synchronous>, transform_indices = @transform_3, window_bounds = array<i64: 1, 8192>}, {transform_indices = @transform_4, window_bounds = array<i64: 1, 1, 1024>}]} {
    %get3A = arith.constant 0 : index
    %get3A_0 = arith.constant 0 : index
    %get3A_1 = arith.constant 0 : index
    %get3A_2 = vector.load %arg1[%get3A, %get3A_0, %get3A_1] : memref<1x1024x64xf32, #tpu.memory_space<vmem>>, vector<1x1024x64xf32>
    %get3A_3 = vector.shape_cast %get3A_2 : vector<1x1024x64xf32> to vector<1024x64xf32>
    %mul3A = arith.mulf %get3A_3, %get3A_3 : vector<1024x64xf32>
    %reduce_sum3A = arith.constant dense<0.000000e+00> : vector<1024xf32>
    %reduce_sum3A_4 = vector.multi_reduction <add>, %mul3A, %reduce_sum3A [1] : vector<1024x64xf32> to vector<1024xf32>
    %broadcast_in_dim3A = vector.shape_cast %reduce_sum3A_4 : vector<1024xf32> to vector<1024x1xf32>
    %get3A_5 = arith.constant 0 : index
    %get3A_6 = arith.constant 0 : index
    %get3A_7 = vector.load %arg3[%get3A_5, %get3A_6] : memref<8192x64xf32, #tpu.memory_space<vmem>>, vector<8192x64xf32>
    %dot_general3A = arith.constant dense<0.000000e+00> : vector<1024x8192xf32>
    %dot_general3A_8 = tpu.matmul %get3A_3, %get3A_7, %dot_general3A {dimension_numbers = #tpu.dot_dimension_numbers<[1], [1], [0], [0], [0, 0, 1, 0], [], []>, transpose_lhs_hint = false} : vector<1024x64xf32>, vector<8192x64xf32>, vector<1024x8192xf32> -> vector<1024x8192xf32>
    %get3A_9 = arith.constant 0 : index
    %get3A_10 = arith.constant 0 : index
    %get3A_11 = vector.load %arg2[%get3A_9, %get3A_10] : memref<1x8192xf32, #tpu.memory_space<vmem>>, vector<1x8192xf32>
    %add3A = vector.broadcast %broadcast_in_dim3A : vector<1024x1xf32> to vector<1024x8192xf32>
    %add3A_12 = vector.broadcast %get3A_11 : vector<1x8192xf32> to vector<1024x8192xf32>
    %add3A_13 = arith.addf %add3A, %add3A_12 : vector<1024x8192xf32>
    %mul3A_14 = arith.constant 2.000000e+00 : f32
    %mul3A_15 = vector.broadcast %mul3A_14 : f32 to vector<1024x8192xf32>
    %mul3A_16 = arith.mulf %mul3A_15, %dot_general3A_8 : vector<1024x8192xf32>
    %sub3A = arith.subf %add3A_13, %mul3A_16 : vector<1024x8192xf32>
    %reduce_min3A = arith.constant dense<0x7F800000> : vector<1024xf32>
    %reduce_min3A_17 = vector.multi_reduction <minimumf>, %sub3A, %reduce_min3A [1] : vector<1024x8192xf32> to vector<1024xf32>
    %broadcast_in_dim3A_18 = vector.shape_cast %reduce_min3A_17 : vector<1024xf32> to vector<1024x1xf32>
    %eq3A = vector.broadcast %broadcast_in_dim3A_18 : vector<1024x1xf32> to vector<1024x8192xf32>
    %eq3A_19 = arith.cmpf oeq, %sub3A, %eq3A : vector<1024x8192xf32>
    %get3A_20 = arith.constant 0 : index
    %get3A_21 = arith.constant 0 : index
    %get3A_22 = vector.load %arg4[%get3A_20, %get3A_21] : memref<1x8192xf32, #tpu.memory_space<vmem>>, vector<1x8192xf32>
    %jit3A = arith.constant 8.192000e+03 : f32
    %broadcast_in_dim3A_23 = vector.shape_cast %get3A_22 : vector<1x8192xf32> to vector<1x8192xf32>
    %broadcast_in_dim3A_24 = vector.broadcast %broadcast_in_dim3A_23 : vector<1x8192xf32> to vector<1024x8192xf32>
    %broadcast_in_dim3A_25 = vector.broadcast %jit3A : f32 to vector<1024x8192xf32>
    %select_n3A = arith.select %eq3A_19, %broadcast_in_dim3A_24, %broadcast_in_dim3A_25 : vector<1024x8192xi1>, vector<1024x8192xf32>
    %reduce_min3A_26 = arith.constant dense<0x7F800000> : vector<1024xf32>
    %reduce_min3A_27 = vector.multi_reduction <minimumf>, %select_n3A, %reduce_min3A_26 [1] : vector<1024x8192xf32> to vector<1024xf32>
    %convert_element_type3A = arith.fptosi %reduce_min3A_27 : vector<1024xf32> to vector<1024xi32>
    %broadcast_in_dim3A_28 = vector.shape_cast %convert_element_type3A : vector<1024xi32> to vector<1x1024xi32>
    %swap3A = arith.constant 0 : index
    %swap3A_29 = arith.constant 0 : index
    %swap3A_30 = arith.constant 0 : index
    %swap3A_31 = vector.load %arg5[%swap3A, %swap3A_29, %swap3A_30] : memref<1x1x1024xi32, #tpu.memory_space<vmem>>, vector<1x1x1024xi32>
    %swap3A_32 = vector.shape_cast %swap3A_31 : vector<1x1x1024xi32> to vector<1x1024xi32>
    %swap3A_33 = vector.shape_cast %broadcast_in_dim3A_28 : vector<1x1024xi32> to vector<1x1x1024xi32>
    tpu.vector_store %arg5[%swap3A, %swap3A_29, %swap3A_30], %swap3A_33 {strides = array<i32>} : memref<1x1x1024xi32, #tpu.memory_space<vmem>>, vector<1x1x1024xi32>,
    return
  }
  func.func @transform_0(%arg0: i32) -> (i32, i32, i32) {
    %c0_i32 = arith.constant 0 : i32
    %c0_i32_0 = arith.constant 0 : i32
    %c0_i32_1 = arith.constant 0 : i32
    return %arg0, %c0_i32, %c0_i32_0 : i32, i32, i32
  }
  func.func @transform_1(%arg0: i32) -> (i32, i32) {
    %c0_i32 = arith.constant 0 : i32
    %c0_i32_0 = arith.constant 0 : i32
    %c0_i32_1 = arith.constant 0 : i32
    return %c0_i32, %c0_i32_0 : i32, i32
  }
  func.func @transform_2(%arg0: i32) -> (i32, i32) {
    %c0_i32 = arith.constant 0 : i32
    %c0_i32_0 = arith.constant 0 : i32
    %c0_i32_1 = arith.constant 0 : i32
    return %c0_i32, %c0_i32_0 : i32, i32
  }
  func.func @transform_3(%arg0: i32) -> (i32, i32) {
    %c0_i32 = arith.constant 0 : i32
    %c0_i32_0 = arith.constant 0 : i32
    %c0_i32_1 = arith.constant 0 : i32
    return %c0_i32, %c0_i32_0 : i32, i32
  }
  func.func @transform_4(%arg0: i32) -> (i32, i32, i32) {
    %c0_i32 = arith.constant 0 : i32
    %c0_i32_0 = arith.constant 0 : i32
    %c0_i32_1 = arith.constant 0 : i32
    return %arg0, %c0_i32, %c0_i32_0 : i32, i32, i32
  }
}

module attributes {stable_mosaic.version = 14 : i64} {
  func.func @_combine_body(%arg0: i32, %arg1: memref<1x1024x64xf32, #tpu.memory_space<vmem>>, %arg2: memref<1x1024x64xf32, #tpu.memory_space<vmem>>, %arg3: memref<1x64x1024xf32, #tpu.memory_space<vmem>>, %arg4: memref<1x1x1024xf32, #tpu.memory_space<vmem>>) attributes {dimension_semantics = [#tpu.dimension_semantics<arbitrary>], iteration_bounds = array<i64: 8>, scalar_prefetch = 0 : i64, scratch_operands = 0 : i64, tpu.core_type = #tpu.core_type<tc>, window_params = [{transform_indices = @transform_0, window_bounds = array<i64: 1, 1024, 64>}, {transform_indices = @transform_1, window_bounds = array<i64: 1, 1024, 64>}, {transform_indices = @transform_2, window_bounds = array<i64: 1, 64, 1024>}, {transform_indices = @transform_3, window_bounds = array<i64: 1, 1, 1024>}]} {
    %get3A = arith.constant 0 : index
    %get3A_0 = arith.constant 0 : index
    %get3A_1 = arith.constant 0 : index
    %get3A_2 = vector.load %arg1[%get3A, %get3A_0, %get3A_1] : memref<1x1024x64xf32, #tpu.memory_space<vmem>>, vector<1x1024x64xf32>
    %get3A_3 = vector.shape_cast %get3A_2 : vector<1x1024x64xf32> to vector<1024x64xf32>
    %get3A_4 = arith.constant 0 : index
    %get3A_5 = arith.constant 0 : index
    %get3A_6 = arith.constant 0 : index
    %get3A_7 = vector.load %arg2[%get3A_4, %get3A_5, %get3A_6] : memref<1x1024x64xf32, #tpu.memory_space<vmem>>, vector<1x1024x64xf32>
    %get3A_8 = vector.shape_cast %get3A_7 : vector<1x1024x64xf32> to vector<1024x64xf32>
    %sub3A = arith.subf %get3A_8, %get3A_3 : vector<1024x64xf32>
    %add3A = arith.addf %get3A_3, %sub3A : vector<1024x64xf32>
    %transpose3A = tpu.transpose %add3A, [1, 0] : vector<1024x64xf32> -> vector<64x1024xf32>
    %swap3A = arith.constant 0 : index
    %swap3A_9 = arith.constant 0 : index
    %swap3A_10 = arith.constant 0 : index
    %swap3A_11 = vector.load %arg3[%swap3A, %swap3A_9, %swap3A_10] : memref<1x64x1024xf32, #tpu.memory_space<vmem>>, vector<1x64x1024xf32>
    %swap3A_12 = vector.shape_cast %swap3A_11 : vector<1x64x1024xf32> to vector<64x1024xf32>
    %swap3A_13 = vector.shape_cast %transpose3A : vector<64x1024xf32> to vector<1x64x1024xf32>
    tpu.vector_store %arg3[%swap3A, %swap3A_9, %swap3A_10], %swap3A_13 {strides = array<i32>} : memref<1x64x1024xf32, #tpu.memory_space<vmem>>, vector<1x64x1024xf32>,
    %mul3A = arith.mulf %sub3A, %sub3A : vector<1024x64xf32>
    %reduce_sum3A = arith.constant dense<0.000000e+00> : vector<1024xf32>
    %reduce_sum3A_14 = vector.multi_reduction <add>, %mul3A, %reduce_sum3A [1] : vector<1024x64xf32> to vector<1024xf32>
    %broadcast_in_dim3A = vector.shape_cast %reduce_sum3A_14 : vector<1024xf32> to vector<1x1024xf32>
    %swap3A_15 = arith.constant 0 : index
    %swap3A_16 = arith.constant 0 : index
    %swap3A_17 = arith.constant 0 : index
    %swap3A_18 = vector.load %arg4[%swap3A_15, %swap3A_16, %swap3A_17] : memref<1x1x1024xf32, #tpu.memory_space<vmem>>, vector<1x1x1024xf32>
    %swap3A_19 = vector.shape_cast %swap3A_18 : vector<1x1x1024xf32> to vector<1x1024xf32>
    %swap3A_20 = vector.shape_cast %broadcast_in_dim3A : vector<1x1024xf32> to vector<1x1x1024xf32>
    tpu.vector_store %arg4[%swap3A_15, %swap3A_16, %swap3A_17], %swap3A_20 {strides = array<i32>} : memref<1x1x1024xf32, #tpu.memory_space<vmem>>, vector<1x1x1024xf32>,
    return
  }
  func.func @transform_0(%arg0: i32) -> (i32, i32, i32) {
    %c0_i32 = arith.constant 0 : i32
    %c0_i32_0 = arith.constant 0 : i32
    %c0_i32_1 = arith.constant 0 : i32
    return %arg0, %c0_i32, %c0_i32_0 : i32, i32, i32
  }
  func.func @transform_1(%arg0: i32) -> (i32, i32, i32) {
    %c0_i32 = arith.constant 0 : i32
    %c0_i32_0 = arith.constant 0 : i32
    %c0_i32_1 = arith.constant 0 : i32
    return %arg0, %c0_i32, %c0_i32_0 : i32, i32, i32
  }
  func.func @transform_2(%arg0: i32) -> (i32, i32, i32) {
    %jit3A = arith.constant 1 : i32
    %div3A = arith.divsi %arg0, %jit3A : i32
    %sign3A = arith.constant 0 : i32
    %sign3A_0 = arith.cmpi sgt, %arg0, %sign3A : i32
    %sign3A_1 = arith.extui %sign3A_0 : i1 to i32
    %sign3A_2 = arith.constant 0 : i32
    %sign3A_3 = arith.cmpi slt, %arg0, %sign3A_2 : i32
    %sign3A_4 = arith.extui %sign3A_3 : i1 to i32
    %sign3A_5 = arith.subi %sign3A_1, %sign3A_4 : i32
    %sign3A_6 = arith.constant 0 : i32
    %sign3A_7 = arith.cmpi sgt, %jit3A, %sign3A_6 : i32
    %sign3A_8 = arith.extui %sign3A_7 : i1 to i32
    %sign3A_9 = arith.constant 0 : i32
    %sign3A_10 = arith.cmpi slt, %jit3A, %sign3A_9 : i32
    %sign3A_11 = arith.extui %sign3A_10 : i1 to i32
    %sign3A_12 = arith.subi %sign3A_8, %sign3A_11 : i32
    %ne3A = arith.cmpi ne, %sign3A_5, %sign3A_12 : i32
    %rem3A = arith.remsi %arg0, %jit3A : i32
    %ne3A_13 = arith.constant 0 : i32
    %ne3A_14 = arith.cmpi ne, %rem3A, %ne3A_13 : i32
    %and3A = arith.andi %ne3A, %ne3A_14 : i1
    %sub3A = arith.constant 1 : i32
    %sub3A_15 = arith.subi %div3A, %sub3A : i32
    %select_n3A = arith.select %and3A, %sub3A_15, %div3A : i32
    %jit3A_16 = arith.constant 1 : i32
    %eq3A = arith.constant 0 : i32
    %eq3A_17 = arith.cmpi eq, %jit3A_16, %eq3A : i32
    %jit3A_18 = arith.constant 1 : i32
    %select_n3A_19 = arith.select %eq3A_17, %jit3A_18, %jit3A_16 : i32
    %rem3A_20 = arith.remsi %arg0, %select_n3A_19 : i32
    %ne3A_21 = arith.constant 0 : i32
    %ne3A_22 = arith.cmpi ne, %rem3A_20, %ne3A_21 : i32
    %lt3A = arith.constant 0 : i32
    %lt3A_23 = arith.cmpi slt, %rem3A_20, %lt3A : i32
    %lt3A_24 = arith.constant 0 : i32
    %lt3A_25 = arith.cmpi slt, %select_n3A_19, %lt3A_24 : i32
    %ne3A_26 = arith.xori %lt3A_23, %lt3A_25 : i1
    %and3A_27 = arith.andi %ne3A_26, %ne3A_22 : i1
    %add3A = arith.addi %rem3A_20, %select_n3A_19 : i32
    %select_n3A_28 = arith.select %and3A_27, %add3A, %rem3A_20 : i32
    %c0_i32 = arith.constant 0 : i32
    %c0_i32_29 = arith.constant 0 : i32
    return %select_n3A, %c0_i32, %select_n3A_28 : i32, i32, i32
  }
  func.func @transform_3(%arg0: i32) -> (i32, i32, i32) {
    %c0_i32 = arith.constant 0 : i32
    %c0_i32_0 = arith.constant 0 : i32
    %c0_i32_1 = arith.constant 0 : i32
    return %arg0, %c0_i32, %c0_i32_0 : i32, i32, i32
  }
}

</mosaic_0001>

<sc_bundles>
// kernel: kernel.6.cloned.1.call-start
scs
__scs_entry_jumppad:
0x0: {  	(pc) =	sbr.rel $0x88, $3  }
0x1: {  	(tag) =	ssettag $0x0;
	lr =	simm.s32 $0x1  }
0x2: {  	[smem:$0x3F9B] =	sst lr;
	_ =	strace $0xD0000000  }
0x3: {  	_ = 	snop  }
0x4: {  	_ = 	snop  }
0x5: {  	_ = 	snop  }
0x6: {  	_ = 	snop  }
0x7: {  	_ = 	snop  }
__scs_overlays_trampoline_lowered:
0x8: {  	[smem:$0x3FAA] =	sst s0  }
0x9: {  	[smem:$0x3FAB] =	sst s1  }
0xa: {  	[smem:$0x3FAC] =	sst s2  }
0xb: {  	[smem:$0x3FAD] =	sst s3  }
0xc: {  	[smem:$0x3FAE] =	sst s4  }
0xd: {  	[smem:$0x3FAF] =	sst s5  }
0xe: {  	[smem:$0x3FB0] =	sst s6  }
0xf: {  	[smem:$0x3FB1] =	sst s7  }
0x10: {  	[smem:$0x3FB2] =	sst s8  }
0x11: {  	[smem:$0x3FB3] =	sst s9;
	s0 =	simm.s32 @!p0 $0x0  }
0x12: {  	s1 =	sld [smem:$0x3F99];
	s0 =	simm.s32 @p0 $0x1  }
0x13: {  	[smem:$0x3FB4] =	sst s0;
	s0 =	simm.s32 @!p1 $0x0  }
0x14: {  	s2 =	sld [smem:$0x3F98];
	s0 =	simm.s32 @p1 $0x1  }
0x15: {  	[smem:$0x3FB5] =	sst s0;
	s0 =	simm.s32 @!p2 $0x0  }
0x16: {  	s3 =	sld [smem:$0x3FDB];
	s0 =	simm.s32 @p2 $0x1  }
0x17: {  	s4 =	simm.s32 $0x1BF5;
	[smem:$0x3FB7] =	sst s0  }
0x18: {  	s0 =	sld [smem:$0x3F9A];
	_ =	swait.ge [sflag:s4], $0x0  }
0x19: {  	s7 =	sld [smem:$0x3F9B]  }
0x1a: {  	s8 =	sadd.s32 $0xFFFFE003, lr  }
0x1b: {  	s9 =	sadd.s32 $0xFFFFFEF7, lr;
	s5 =	simm.s32 $0xFFFFFFFF;
	p2 =	slt.u32 s8, $0xFFFFF086  }
0x1c: {  	p1 =	slt.u32 s9, $0xF7A;
	s5 =	simm.s32 @!p2 $0x0  }
0x1d: {  	s5 =	simm.s32 @p1 $0x1;
	p0 =	seq.s32 s7, s2  }
0x1e: {  	s7 =	smul.u32 @!p0 $0xF7A, s2;
	p2 =	seq.s32 @!p0 s5, $0x0  }
0x1f: {  	s9 =	smul.u32 $0xF7A, s1;
	s8 =	simm.s32 @!p0 $0x1BF5;
	p2 =	por !p2, p0  }
0x20: {  	[sflag:s8] =	ssyncset.s32 @!p0 $0xFFFFF086;
	s6 =	sadd.s32 @!p0 s3, s7;
	s7 =	simm.s32 @!p0 $0x108  }
0x21: {  	s3 =	sadd.s32 s3, s9;
	s6 =	sadd.s32 @!p0 $0x88, s6;
	s7 =	simm.s32 @p2 $0x1082  }
0x22: {  	[simem:s7], [sflag:s8] =	dma.local @!p0 [hbm:s6], $0xF7A  }
0x23: {  	s9 =	sor.u32 $0xD0000000, s2;
	s6 =	simm.s32 $0x108;
	_ =	swait.ge @!p0 [sflag:s8], $0x0  }
0x24: {  	s3 =	sadd.s32 $0x88, s3;
	s6 =	simm.s32 @!p1 $0x1082;
	[sflag:s4] =	ssyncset.s32 $0xFFFFF086  }
0x25: {  	[simem:s6], [sflag:s4] =	dma.local [hbm:s3], $0xF7A  }
0x26: {  	[smem:$0x3F9B] =	sst s1;
	(tag) =	ssettag s2;
	_ =	strace s9  }
0x27: {  	s1 =	sld [smem:$0x3FAB]  }
0x28: {  	s2 =	sld [smem:$0x3FAC]  }
0x29: {  	s4 =	sld [smem:$0x3FAE]  }
0x2a: {  	p0 =	seq.s32 s5, $0x0;
	s5 =	sld [smem:$0x3FAF]  }
0x2b: {  	s6 =	sld [smem:$0x3FB0]  }
0x2c: {  	s7 =	sld [smem:$0x3FB1]  }
0x2d: {  	s3 =	simm.s32 $0x108;
	s8 =	sld [smem:$0x3FB2]  }
0x2e: {  	s3 =	simm.s32 @!p0 $0x1082;
	s9 =	sld [smem:$0x3FB3]  }
0x2f: {  	lr =	sadd.s32 s0, s3;
	s0 =	sld [smem:$0x3FAA]  }
0x30: {  	s3 =	sld [smem:$0x3FAD]  }
0x31: {  	[smem:$0x3FB6] =	sst s10  }
0x32: {  	s10 =	sld [smem:$0x3FB4];
	_ =	sdelay $0x3  }
0x33: {  	p0 =	seq.s32 s10, $0x1;
	s10 =	sld [smem:$0x3FB6];
	_ =	sdelay $0x3  }
0x34: {  	[smem:$0x3FB6] =	sst s10  }
0x35: {  	s10 =	sld [smem:$0x3FB5];
	_ =	sdelay $0x3  }
0x36: {  	p1 =	seq.s32 s10, $0x1;
	s10 =	sld [smem:$0x3FB6];
	_ =	sdelay $0x3  }
0x37: {  	[smem:$0x3FB6] =	sst s10  }
0x38: {  	s10 =	sld [smem:$0x3FB7]  }
0x39: {  	_ = 	snop;
	(pc) =	sbr.ind lr, $3  }
0x3a: {  	_ = 	snop  }
0x3b: {  	_ = 	snop  }
0x3c: {  	p2 =	seq.s32 s10, $0x1;
	s10 =	sld [smem:$0x3FB6]  }
0x3d: {  	_ =	shalt  }
0x3e: {  	_ =	shalt  }
0x3f: {  	_ =	shalt  }
0x40: {  	_ =	shalt  }
0x41: {  	_ =	shalt  }
0x42: {  	_ =	shalt  }
0x43: {  	_ =	shalt  }
0x44: {  	_ =	shalt  }
0x45: {  	_ =	shalt  }
0x46: {  	_ =	shalt  }
0x47: {  	_ =	shalt  }
0x48: {  	_ =	shalt  }
0x49: {  	_ =	shalt  }
0x4a: {  	_ =	shalt  }
0x4b: {  	_ =	shalt  }
0x4c: {  	_ =	shalt  }
0x4d: {  	_ =	shalt  }
0x4e: {  	_ =	shalt  }
0x4f: {  	_ =	shalt  }
0x50: {  	_ =	shalt  }
0x51: {  	_ =	shalt  }
0x52: {  	_ =	shalt  }
0x53: {  	_ =	shalt  }
0x54: {  	_ =	shalt  }
0x55: {  	_ =	shalt  }
0x56: {  	_ =	shalt  }
0x57: {  	_ =	shalt  }
0x58: {  	_ =	shalt  }
0x59: {  	_ =	shalt  }
0x5a: {  	_ =	shalt  }
0x5b: {  	_ =	shalt  }
0x5c: {  	_ =	shalt  }
0x5d: {  	_ =	shalt  }
0x5e: {  	_ =	shalt  }
0x5f: {  	_ =	shalt  }
0x60: {  	_ =	shalt  }
0x61: {  	_ =	shalt  }
0x62: {  	_ =	shalt  }
0x63: {  	_ =	shalt  }
0x64: {  	_ =	shalt  }
0x65: {  	_ =	shalt  }
0x66: {  	_ =	shalt  }
0x67: {  	_ =	shalt  }
0x68: {  	_ =	shalt  }
0x69: {  	_ =	shalt  }
0x6a: {  	_ =	shalt  }
0x6b: {  	_ =	shalt  }
0x6c: {  	_ =	shalt  }
0x6d: {  	_ =	shalt  }
0x6e: {  	_ =	shalt  }
0x6f: {  	_ =	shalt  }
0x70: {  	_ =	shalt  }
0x71: {  	_ =	shalt  }
0x72: {  	_ =	shalt  }
0x73: {  	_ =	shalt  }
0x74: {  	_ =	shalt  }
0x75: {  	_ =	shalt  }
0x76: {  	_ =	shalt  }
0x77: {  	_ =	shalt  }
0x78: {  	_ =	shalt  }
0x79: {  	_ =	shalt  }
0x7a: {  	_ =	shalt  }
0x7b: {  	_ =	shalt  }
0x7c: {  	_ =	shalt  }
0x7d: {  	_ =	shalt  }
0x7e: {  	_ =	shalt  }
0x7f: {  	_ =	shalt  }
0x80: {  	_ =	shalt  }
0x81: {  	_ =	shalt  }
0x82: {  	_ =	shalt  }
0x83: {  	_ =	shalt  }
0x84: {  	_ =	shalt  }
0x85: {  	_ =	shalt  }
0x86: {  	_ =	shalt  }
0x87: {  	_ =	shalt  }
.Lfunc_end0:
.L_simem_size_0:
called_computation_lowered:
.L_overlay_start_0:
0x88: {  	s2 =	sld [smem:$0x3FD9]  }
0x89: {  	s3 =	sld [smem:$0x3FFE];
	_ =	sdelay $0x1  }
0x8a: {  	s1 =	srdreg.scid  }
0x8b: {  	s0 =	sand.u32 $0x1, s1  }
0x8c: {  	s16 =	sshll.u32 s0, $0xA;
	s2 =	sadd.s32 s3, s2  }
0x8d: {  	s2 =	sadd.s32 s2, s16  }
0x8e: {  	[smem:$0x3FC2] =	sst s2  }
0x8f: {  	_ = 	snop  }
0x90: {  	(tm) =	ssettm $0x1  }
0x91: {  	s17 =	sld [smem:$0x3FFB];
	_ =	sdelay $0x3  }
0x92: {  	_ =	strace s17  }
0x93: {  	s2 =	sld [smem:$0x3FFC];
	_ =	sdelay $0x3  }
0x94: {  	_ =	strace s2  }
0x95: {  	s2 =	sld [smem:$0x3FFD];
	_ =	sdelay $0x3  }
0x96: {  	_ =	strace s2  }
0x97: {  	_ =	strace $0x8FFFFFFF  }
0x98: {  	s18 =	sld [smem:$0x3FDB];
	_ =	sdelay $0x1  }
0x99: {  	s19 =	simm.s32 $_scs_section_size  }
0x9a: {  	s4 =	simm.s32 $_size__tile_overlayer_lowered;
	s5 =	simm.s32 $_tile_overlayer_lowered  }
0x9b: {  	s22 =	simm.s32 $0x1BFF;
	s21 =	sshll.u32 s5, $0x1;
	s2 =	sadd.s32 s19, s18  }
0x9c: {  	s6 =	simm.s32 $0x0;
	s20 =	sshll.u32 s4, $0x1;
	s4 =	sadd.s32 s21, s2  }
0x9d: {  	[timem:s6], [sflag:s22] =	dma.local [hbm:s4], s20  }
0x9e: {  	_ =	swait.ge [sflag:s22], s20  }
0x9f: {  	s3 =	ssub.s32 $0x0, s20;
	[sflag:s22] =	ssyncset.done $0x0  }
0xa0: {  	[sflag:s22] =	ssyncadd.s32 s3;
	_ =	sdelay $0x1  }
0xa1: {  	s23 =	simm.s32 $0x1B8B  }
0xa2: {  	_ =	swait.ge [sflag:s23], $0x1  }
0xa3: {  	[sflag:s23] =	ssyncset.done $0x0  }
0xa4: {  	s25 =	simm.s32 $0x1B8E;
	s24 =	sld [smem:$0x3FFE];
	[sflag:s23] =	ssyncadd.s32 $0xFFFFFFFF  }
0xa5: {  	s26 =	simm.s32 $execute0_lowered;
	[smem:$0x3FD2] =	sst s25  }
0xa6: {  	s4 =	sshll.u32 s26, $0x1;
	_ =	strace $0x80000046;
	[dreg:$0x1] =	wrdreg $0xFFFFFFFF  }
0xa7: {  	s28 =	simm.s32 $_size_execute0_lowered;
	s2 =	sadd.s32 s2, s4;
	[dreg:$0x0] =	wrdreg $0x0  }
0xa8: {  	s4 =	sshll.u32 s28, $0x1;
	[dreg:$0x2] =	wrdreg s2  }
0xa9: {  	[dreg:$0x3] =	wrdreg s4  }
0xaa: {  	[dreg:$0x4] =	wrdreg $0xC0  }
0xab: {  	_ =	task [dreg:s6], $0x5FFFF  }
0xac: {  	[dreg:$0x1] =	wrdreg $0xFFFFFFFF  }
0xad: {  	[dreg:$0x0] =	wrdreg $0x60  }
0xae: {  	[dreg:$0x2] =	wrdreg s24  }
0xaf: {  	[dreg:$0x3] =	wrdreg $0x9  }
0xb0: {  	_ =	task.clear_ibuf [dreg:s6], $0x4FFFF;
	_ =	strace $0x90000046  }
0xb1: {  	s29 =	simm.s32 $0x9;
	_ =	strace $0x80000048  }
0xb2: {  	_ =	swait.ge [sflag:s29], $0x1  }
0xb3: {  	[sflag:s29] =	ssyncadd.s32 $0xFFFFFFFF  }
0xb4: {  	_ =	strace $0x90000048  }
0xb5: {  	_ =	sfence  }
0xb6: {  	s30 =	sld [smem:$0x0];
	_ =	sdelay $0x2  }
0xb7: {  	s31 =	sshll.u32 s1, $0xD;
	s1 =	sshrl.u32 s1, $0x2  }
0xb8: {  	s3 =	sand.u32 $0x4000, s31;
	s1 =	sadd.s32 s1, s30  }
0xb9: {  	s0 =	sor.u32 s3, s0;
	s1 =	sshll.u32 s1, $0x11  }
0xba: {  	s0 =	sor.u32 s1, s0  }
0xbb: {  	s0 =	sadd.s32 $0x8F2B, s0  }
0xbc: {  	[sflag:s0] =	ssyncadd.remote.s32 $0x1  }
0xbd: {  	_ =	sfence.sel $0xFFFF  }
0xbe: {  	[dreg:$0x0] =	wrdreg $0xFFFFFFFF;
	(pc) =	sbr.abs _section_cstart, $3  }
0xbf: {  	[dreg:$0x1] =	wrdreg $0xFFFFFFFF  }
0xc0: {  	_ =	task.clear_ibuf [dreg:s6], $0x2FFFF;
	_ =	strace $0x9FFFFFFF  }
0xc1: {  	(tm) =	ssettm $0x7FFFFFFF  }
tec
execute0_lowered:
.L_overlay_start_1:
0x0: {  	(tag) =	ssettag $0x1  }
0x1: {  	s1 =	srdreg.scid;
	s0 =	stileid.u32  }
0x2: {  	s10 =	sand.u32 $0x1, s1;
	s29 =	sshll.u32 s0, $0x1  }
0x3: {  	s11 =	rddreg [dreg:$0x0];
	s12 =	sor.u32 s10, s29  }
0x4: {  	s2 =	simm.s32 $0x0;
	s1 =	rddreg [dreg:$0x1];
	s3 =	sshll.u32 s12, $0x5  }
0x5: {  	[smem:$0x7FF] =	sst s2;
	s3 =	sadd.s32 s3, s11  }
0x6: {  	_ =	strace $0x80000047;
	s4 =	sadd.s32 $0x31E00, s3;
	s3 =	simm.s32 $0x2  }
0x7: {  	[tilespmem:s2], [sflag:$0x2] =	stream.linear.gather [hbm4b:s4+s2], $0x100, $0x38;
	[tilespmem:$0x4100] =	vst v63  }
0x8: {  	_ =	swait.ge [sflag:s3], $0x100  }
0x9: {  	s6 =	simm.s32 $0x80;
	[sflag:s3] =	ssyncset.done $0x0  }
0xa: {  	s7 =	simm.s32 $0x100;
	s5 =	sadd.s32 $0x21600, s11;
	[sflag:s3] =	ssyncadd.s32 $0xFFFFFF00  }
0xb: {  	[tilespmem:s7], [sflag:$0x1] =	stream.indirect.gather [hbm4b:s5+s6], $0x40, s2, s6, $0xb8;
	[tilespmem:$0x4100] =	vst v63  }
0xc: {  	s8 =	simm.s32 $0x2100;
	s9 =	simm.s32 $0x1;
	s10 =	ssub.s32 $0x2, s10  }
0xd: {  	[tilespmem:s8], [sflag:$0x1] =	stream.indirect.gather [hbm4b:s5+s6], $0x40, s6, s6, $0xb8;
	[tilespmem:$0x4100] =	vst v63  }
0xe: {  	s13 =	sshrl.u32 s10, $0x1;
	_ =	swait.ge [sflag:s9], $0x2000  }
0xf: {  	s30 =	ssub.s32 s10, s13;
	[sflag:s9] =	ssyncset.done $0x0  }
0x10: {  	s31 =	smax.u32 s30, $0x1;
	[sflag:s9] =	ssyncadd.s32 $0xFFFFE000  }
0x11: {  	s12 =	sshll.u32 s12, $0xB;
	p0 =	sne.s32 s31, $0x1;
	_ =	swait.ge [sflag:s9], $0x2000  }
.Ltmp0:
0x12: {  	s11 =	sadd.s32 s12, s11;
	[sflag:s9] =	ssyncset.done $0x0;
	(pc) =	sbr.rel @!p0 .LBB2_2-.Ltmp0, $4  }
0x13: {  	s10 =	sadd.s32 $0x1200, s11;
	[sflag:s9] =	ssyncadd.s32 $0xFFFFE000  }
0x14: {  	[hbm4b:s10+s2] =	stream.linear.scatter [tilespmem:s7], [sflag:$0x2], $0x4000, $0x38;
	[tilespmem:$0x4100] =	vst v63  }
0x15: {  	_ =	swait.ge [sflag:s3], $0x4000  }
0x16: {  	s11 =	sadd.s32 $0xFFFFFFFF, s31;
	[sflag:s3] =	ssyncset.done $0x0  }
.LBB2_1:
0x17: {  	p0 =	sne.s32 s11, $0x1;
	s11 =	sadd.s32 $0xFFFFFFFF, s11;
	[sflag:s3] =	ssyncadd.s32 $0xFFFFC000  }
0x18: {  	[tilespmem:s2], [sflag:$0x2] =	stream.linear.gather [hbm4b:s4+s2], $0x100, $0x38;
	[tilespmem:$0x4100] =	vst v63  }
0x19: {  	_ =	swait.ge [sflag:s3], $0x100  }
0x1a: {  	[sflag:s3] =	ssyncset.done $0x0  }
0x1b: {  	[sflag:s3] =	ssyncadd.s32 $0xFFFFFF00  }
0x1c: {  	[tilespmem:s7], [sflag:$0x1] =	stream.indirect.gather [hbm4b:s5+s6], $0x40, s2, s6, $0xb8;
	[tilespmem:$0x4100] =	vst v63  }
0x1d: {  	_ = 	snop  }
0x1e: {  	[tilespmem:s8], [sflag:$0x1] =	stream.indirect.gather [hbm4b:s5+s6], $0x40, s6, s6, $0xb8;
	[tilespmem:$0x4100] =	vst v63  }
0x1f: {  	_ =	swait.ge [sflag:s9], $0x2000  }
0x20: {  	[sflag:s9] =	ssyncset.done $0x0  }
0x21: {  	[sflag:s9] =	ssyncadd.s32 $0xFFFFE000  }
0x22: {  	_ =	swait.ge [sflag:s9], $0x2000  }
.Ltmp1:
0x23: {  	[sflag:s9] =	ssyncset.done $0x0;
	(pc) =	sbr.rel @p0 .LBB2_1-.Ltmp1, $4  }
0x24: {  	[sflag:s9] =	ssyncadd.s32 $0xFFFFE000  }
0x25: {  	[hbm4b:s10+s2] =	stream.linear.scatter [tilespmem:s7], [sflag:$0x2], $0x4000, $0x38;
	[tilespmem:$0x4100] =	vst v63  }
0x26: {  	_ =	swait.ge [sflag:s3], $0x4000  }
0x27: {  	[sflag:s3] =	ssyncset.done $0x0  }
.LBB2_2:
0x28: {  	[sflag:s3] =	ssyncadd.s32 $0xFFFFC000  }
0x29: {  	_ =	sfence.sel $0x180000  }
0x2a: {  	[bflag:$0x0] =	sbarrier.arrive $0xFFFF  }
0x2b: {  	p0 =	sne.s32 s0, $0x0;
	_ =	strace $0x90000047  }
0x2c: {  	s0 =	sadd.s32 @!p0 $0x100000, s1;
	[bflag:$0x2] =	sbarrier.arrive $0xFFFF  }
0x2d: {  	[sflag:s0] =	ssyncadd.tile.s32 @!p0 $0x1;
	_ =	shalt  }
.Lfunc_end2:
_tile_overlayer_lowered:
.L_overlay_start_2:
0x2e: {  	(tag) =	ssettag $0x2  }
0x2f: {  	s0 =	rddreg [dreg:$0x0];
	s2 =	stileid.u32  }
0x30: {  	s1 =	rddreg [dreg:$0x1];
	p0 =	sne.s32 s2, $0x0  }
0x31: {  	s3 =	rddreg [dreg:$0x2];
	[bflag:$0x3] =	sbarrier.arrive $0xFFFF;
	s2 =	simm.s32 @!p0 $0x1C02  }
0x32: {  	[timem:s3], [sflag:s2] =	dma.local @!p0 [hbm:s0], s1  }
0x33: {  	s0 =	simm.s32 @!p0 $0x2  }
0x34: {  	_ =	swait.ge @!p0 [sflag:s0], s1  }
0x35: {  	s1 =	ssub.s32 @!p0 $0x0, s1;
	[sflag:s0] =	ssyncset.done @!p0 $0x0  }
0x36: {  	[sflag:s0] =	ssyncadd.s32 @!p0 s1  }
0x37: {  	[bflag:$0x3] =	sbarrier.arrive $0xFFFF  }
0x38: {  	_ =	shalt  }

</sc_bundles>
